<compile_context>
chip_gen: v7x
topology: tpu7x:2x2x1
jax: 0.10.2.dev20260603
libtpu: 0.0.44.dev20260713+nightly
codegen_flags: <defaults>
</compile_context>

<pallas_src>
import functools
import math

import jax
import jax.numpy as jnp
import numpy as np
from jax import lax
from jax.experimental import pallas as pl
from jax.experimental.pallas import tpu as pltpu
from jax.experimental.pallas import tpu_sc as plsc

NUM_SAMPLED = 1024
NUM_CLASSES = 100000
LAMB = 0.1
BATCH = 4096
DIM = 128
N_CODES = 4

_NW = 32
_TB = BATCH // _NW
_SB = NUM_SAMPLED // _NW
_LOGNC1 = math.log(NUM_CLASSES + 1.0)


def _sc_gather(table, bias, labels, sampled):
    mesh = plsc.VectorSubcoreMesh(core_axis_name="c", subcore_axis_name="s")

    @functools.partial(
        pl.kernel,
        out_type=(
            jax.ShapeDtypeStruct((BATCH, DIM), jnp.float32),
            jax.ShapeDtypeStruct((BATCH,), jnp.float32),
            jax.ShapeDtypeStruct((NUM_SAMPLED, DIM), jnp.float32),
            jax.ShapeDtypeStruct((NUM_SAMPLED,), jnp.float32),
        ),
        mesh=mesh,
        scratch_types=[
            pltpu.VMEM((_TB,), jnp.int32),
            pltpu.VMEM((_SB,), jnp.int32),
            pltpu.VMEM((_TB, DIM), jnp.float32),
            pltpu.VMEM((_SB, DIM), jnp.float32),
            pltpu.VMEM((_TB,), jnp.float32),
            pltpu.VMEM((_SB,), jnp.float32),
        ] + [pltpu.SemaphoreType.DMA] * 8,
    )
    def k(table_h, bias_h, labels_h, sampled_h,
          tw_h, tb_h, sw_h, sb_h,
          lidx, sidx, twv, swv, tbv, sbv,
          g1, g2, g3, g4, w1, w2, w3, w4):
        wid = lax.axis_index("s") * 2 + lax.axis_index("c")
        tbase = wid * _TB
        sbase = wid * _SB
        pltpu.sync_copy(labels_h.at[pl.ds(tbase, _TB)], lidx)
        pltpu.sync_copy(sampled_h.at[pl.ds(sbase, _SB)], sidx)
        c1 = pltpu.async_copy(table_h.at[lidx], twv, g1)
        c2 = pltpu.async_copy(table_h.at[sidx], swv, g2)
        c3 = pltpu.async_copy(bias_h.at[lidx], tbv, g3)
        c4 = pltpu.async_copy(bias_h.at[sidx], sbv, g4)
        c1.wait()
        o1 = pltpu.async_copy(twv, tw_h.at[pl.ds(tbase, _TB)], w1)
        c2.wait()
        o2 = pltpu.async_copy(swv, sw_h.at[pl.ds(sbase, _SB)], w2)
        c3.wait()
        o3 = pltpu.async_copy(tbv, tb_h.at[pl.ds(tbase, _TB)], w3)
        c4.wait()
        o4 = pltpu.async_copy(sbv, sb_h.at[pl.ds(sbase, _SB)], w4)
        o1.wait()
        o2.wait()
        o3.wait()
        o4.wait()

    return k(table, bias, labels, sampled)


_BB = 2048


def _tc_body(xin_ref, lab4_ref, tw_ref, tb_ref, sw_ref, sb_ref, nlq_ref,
             samp_ref, out_ref):
    i = pl.program_id(0)
    x = xin_ref[:, 2, :]
    ones_s = jnp.ones((NUM_SAMPLED, DIM), jnp.float32)
    ones_t = jnp.ones((DIM, DIM), jnp.float32)
    s_log = lax.dot_general(x, sw_ref[...], (((1,), (1,)), ((), ())),
                            preferred_element_type=jnp.float32)
    s_log = s_log + (sb_ref[...] + nlq_ref[...])
    lab = lab4_ref[:, 3:4]
    hit = lab == samp_ref[...]
    s_log = jnp.where(hit, s_log - 1e9, s_log)
    es = jnp.exp(s_log)
    se_s = lax.dot_general(es, ones_s, (((1,), (0,)), ((), ())),
                           preferred_element_type=jnp.float32)[:, :1]
    t_dot = lax.dot_general(x * tw_ref[...], ones_t,
                            (((1,), (0,)), ((), ())),
                            preferred_element_type=jnp.float32)[:, :1]
    labf = lab.astype(jnp.float32)
    tp = (jnp.log(labf + 2.0) - jnp.log(labf + 1.0)) / _LOGNC1
    tq = 1.0 - jnp.exp(NUM_SAMPLED * jnp.log(1.0 - tp))
    t_log = t_dot + tb_ref[...] - jnp.log(tq + 1e-20)
    se = se_s + jnp.exp(t_log)
    loss = jnp.log(se) - t_log

    @pl.when(i == 0)
    def _():
        out_ref[0, 0] = 0.0

    out_ref[0, 0] += jnp.sum(loss)

    @pl.when(i == BATCH // _BB - 1)
    def _():
        out_ref[0, 0] *= jnp.float32(LAMB / BATCH)


def _tc_loss(inputs_in, labels4, tw, tb_col, sw, sb_row, nlq_row, samp_row):
    grid = BATCH // _BB
    return pl.pallas_call(
        _tc_body,
        grid=(grid,),
        in_specs=[
            pl.BlockSpec((_BB, N_CODES, DIM), lambda i: (i, 0, 0)),
            pl.BlockSpec((_BB, N_CODES), lambda i: (i, 0)),
            pl.BlockSpec((_BB, DIM), lambda i: (i, 0)),
            pl.BlockSpec((_BB, 1), lambda i: (i, 0)),
            pl.BlockSpec((NUM_SAMPLED, DIM), lambda i: (0, 0)),
            pl.BlockSpec((1, NUM_SAMPLED), lambda i: (0, 0)),
            pl.BlockSpec((1, NUM_SAMPLED), lambda i: (0, 0)),
            pl.BlockSpec((1, NUM_SAMPLED), lambda i: (0, 0)),
        ],
        out_specs=pl.BlockSpec(memory_space=pltpu.SMEM),
        out_shape=jax.ShapeDtypeStruct((1, 1), jnp.float32),
    )(inputs_in, labels4, tw, tb_col, sw, sb_row, nlq_row, samp_row)


def kernel(inputs_in, labels_in, kernel, bias):
    labels4 = labels_in.astype(jnp.int32)
    labels = labels4[:, 3]
    key = jax.random.fold_in(jax.random.key(42), 5)
    u = jax.random.uniform(key, (NUM_SAMPLED,))
    s = jnp.floor(jnp.exp(u * jnp.log(NUM_CLASSES + 1.0))) - 1.0
    sampled = jnp.clip(s, 0, NUM_CLASSES - 1).astype(jnp.int32)
    samp_f = sampled.astype(jnp.float32)
    sp = (jnp.log(samp_f + 2.0) - jnp.log(samp_f + 1.0)) / _LOGNC1
    sq = 1.0 - jnp.exp(NUM_SAMPLED * jnp.log(1.0 - sp))
    nlq_row = (-jnp.log(sq + 1e-20)).reshape(1, NUM_SAMPLED)
    samp_row = sampled.reshape(1, NUM_SAMPLED)

    tw, tb, sw, sb = _sc_gather(kernel, bias, labels, sampled)
    out = _tc_loss(inputs_in.astype(jnp.float32), labels4, tw,
                   tb.reshape(BATCH, 1), sw, sb.reshape(1, NUM_SAMPLED),
                   nlq_row, samp_row)
    return out[0, 0]

# --- scband reference (transcript-rebuilt; emitter-appended) ---
"""Pipeline reference for scband-skipgram-regularization-89970974917318 (READ-ONLY COPY).

The authoritative reference and input builder live on the scoring server;
editing this copy changes nothing except your own understanding.
"""

import jax, jax.numpy as jnp
import numpy as np

NUM_SAMPLED = 1024
NUM_CLASSES = 100000
LAMB = 0.1
BATCH = 4096
N_CODES = 4
DIM = 128


def _log_uniform_sample(key, num_sampled, num_classes):
    # TF log_uniform_candidate_sampler: P(c) = (log(c+2)-log(c+1)) / log(num_classes+1)
    u = jax.random.uniform(key, (num_sampled,))
    sampled = jnp.floor(jnp.exp(u * jnp.log(num_classes + 1.0))) - 1.0
    sampled = jnp.clip(sampled, 0, num_classes - 1).astype(jnp.int32)
    return sampled


def _log_uniform_prob(ids, num_classes):
    idsf = ids.astype(jnp.float32)
    return (jnp.log(idsf + 2.0) - jnp.log(idsf + 1.0)) / jnp.log(num_classes + 1.0)


def _expected_count(p, num_sampled):
    # expected count for sampling-without-replacement approximation used by TF
    return -jnp.expm1(num_sampled * jnp.log1p(-p))


def _sampled_softmax_loss(weights, biases, labels, inputs, num_sampled, num_classes, key):
    # labels: int[B], inputs: float[B, d]
    labels = labels.reshape(-1)
    sampled = _log_uniform_sample(key, num_sampled, num_classes)
    true_w = jnp.take(weights, labels, axis=0)            # gather [B, d]
    true_b = jnp.take(biases, labels, axis=0)             # gather [B]
    true_logits = jnp.sum(inputs * true_w, axis=-1) + true_b
    true_q = _expected_count(_log_uniform_prob(labels, num_classes), num_sampled)
    true_logits = true_logits - jnp.log(true_q + 1e-20)
    sampled_w = jnp.take(weights, sampled, axis=0)        # gather [S, d]
    sampled_b = jnp.take(biases, sampled, axis=0)
    s_logits = inputs @ sampled_w.T + sampled_b[None, :]  # [B, S]
    s_q = _expected_count(_log_uniform_prob(sampled, num_classes), num_sampled)
    s_logits = s_logits - jnp.log(s_q + 1e-20)[None, :]
    # remove accidental hits (TF default remove_accidental_hits=True)
    hit = labels[:, None] == sampled[None, :].astype(labels.dtype)
    s_logits = jnp.where(hit, s_logits - 1e9, s_logits)
    logits = jnp.concatenate([true_logits[:, None], s_logits], axis=1)
    # softmax cross entropy with the true class in column 0
    loss = jax.nn.logsumexp(logits, axis=1) - logits[:, 0]
    return loss


def setup_inputs(seed: int = 0) -> dict:
    key = jax.random.key(seed)
    k1, k2, k3, k4 = jax.random.split(key, 4)
    inputs_in = jax.random.normal(k1, (BATCH, N_CODES, DIM), dtype=jnp.float32)
    labels_in = jax.random.randint(k2, (BATCH, N_CODES), 0, NUM_CLASSES).astype(jnp.int64)
    # keras 'uniform' initializer ~ U(-0.05, 0.05)
    kernel = jax.random.uniform(k3, (NUM_CLASSES, DIM), minval=-0.05, maxval=0.05, dtype=jnp.float32)
    bias = jax.random.uniform(k4, (NUM_CLASSES,), minval=-0.05, maxval=0.05, dtype=jnp.float32)
    return {"inputs_in": inputs_in, "labels_in": labels_in, "kernel": kernel, "bias": bias}


def reference(inputs_in, labels_in, kernel, bias):
    inputs_in = inputs_in.astype(jnp.float32)
    labels_f = labels_in.astype(jnp.float32)
    n_codes = labels_in.shape[1]
    base_key = jax.random.key(42)
    total_loss = 0.0
    loss = None
    pair = 0
    for i in range(n_codes):
        inputs = inputs_in[:, i, :]
        for j in range(i + 1, n_codes):
            labels = labels_in[:, j]
            loss = _sampled_softmax_loss(kernel, bias, labels, inputs,
                                         NUM_SAMPLED, NUM_CLASSES,
                                         jax.random.fold_in(base_key, pair))
            pair += 1
            condition = jnp.logical_or(labels_f[:, j] == 0.0, labels_f[:, i] == 0.0)
            total_loss = total_loss + loss * jnp.logical_not(condition).astype(jnp.float32)
    # NOTE: faithful to the original (buggy) code: cost uses only the LAST pair's loss
    cost = LAMB * jnp.mean(loss)
    return cost

if __name__ == "__main__":
    import jax
    _d = setup_inputs()
    print(jax.jit(kernel)(*tuple(_d.values())))

</pallas_src>

<mosaic_0001>
#map = affine_map<(d0, d1) -> (0, 0)>
#map1 = affine_map<(d0, d1) -> (0)>
module attributes {stable_mosaic.version = 14 : i64} {
  func.func @k(%arg0: i32, %arg1: i32, %arg2: memref<100000x128xf32, #tpu.memory_space<hbm>>, %arg3: memref<100000xf32, #tpu.memory_space<hbm>>, %arg4: memref<4096xi32, #tpu.memory_space<hbm>>, %arg5: memref<1024xi32, #tpu.memory_space<hbm>>, %arg6: memref<4096x128xf32, #tpu.memory_space<hbm>>, %arg7: memref<4096xf32, #tpu.memory_space<hbm>>, %arg8: memref<1024x128xf32, #tpu.memory_space<hbm>>, %arg9: memref<1024xf32, #tpu.memory_space<hbm>>, %arg10: memref<128xi32, #tpu.memory_space<vmem>>, %arg11: memref<32xi32, #tpu.memory_space<vmem>>, %arg12: memref<128x128xf32, #tpu.memory_space<vmem>>, %arg13: memref<32x128xf32, #tpu.memory_space<vmem>>, %arg14: memref<128xf32, #tpu.memory_space<vmem>>, %arg15: memref<32xf32, #tpu.memory_space<vmem>>, %arg16: memref<!tpu.dma_semaphore, #tpu.memory_space<semaphore_mem>>, %arg17: memref<!tpu.dma_semaphore, #tpu.memory_space<semaphore_mem>>, %arg18: memref<!tpu.dma_semaphore, #tpu.memory_space<semaphore_mem>>, %arg19: memref<!tpu.dma_semaphore, #tpu.memory_space<semaphore_mem>>, %arg20: memref<!tpu.dma_semaphore, #tpu.memory_space<semaphore_mem>>, %arg21: memref<!tpu.dma_semaphore, #tpu.memory_space<semaphore_mem>>, %arg22: memref<!tpu.dma_semaphore, #tpu.memory_space<semaphore_mem>>, %arg23: memref<!tpu.dma_semaphore, #tpu.memory_space<semaphore_mem>>) attributes {dimension_semantics = [#tpu.dimension_semantics<core_parallel>, #tpu.dimension_semantics<subcore_parallel>], iteration_bounds = array<i64: 2, 16>, scalar_prefetch = 0 : i64, scratch_operands = 14 : i64, tpu.core_type = #tpu.core_type<sc_vector_subcore>, window_params = [{transform_indices = #map}, {transform_indices = #map1}, {transform_indices = #map1}, {transform_indices = #map1}, {transform_indices = #map}, {transform_indices = #map1}, {transform_indices = #map}, {transform_indices = #map1}]} {
    %mul3A = arith.constant 2 : i32
    %mul3A_0 = arith.muli %arg1, %mul3A : i32
    %add3A = arith.addi %mul3A_0, %arg0 : i32
    %mul3A_1 = arith.constant 128 : i32
    %mul3A_2 = arith.muli %add3A, %mul3A_1 : i32
    %mul3A_3 = arith.constant 32 : i32
    %mul3A_4 = arith.muli %add3A, %mul3A_3 : i32
    "tpu.region"() ({
      %run_scoped3A = tpu.sem_alloc : memref<!tpu.dma_semaphore, #tpu.memory_space<semaphore_mem>>
      %dma_start3A_47 = tpu.memref_slice %arg4[%mul3A_2] : memref<4096xi32, #tpu.memory_space<hbm>> -> memref<128xi32, #tpu.memory_space<hbm>>
      %dma_start3A_48 = tpu.memref_slice %arg4[%mul3A_2] : memref<4096xi32, #tpu.memory_space<hbm>> -> memref<128xi32, #tpu.memory_space<hbm>>
      tpu.enqueue_dma source(%dma_start3A_48 : memref<128xi32, #tpu.memory_space<hbm>>) target(%arg10 : memref<128xi32, #tpu.memory_space<vmem>>) target_semaphore(%run_scoped3A : memref<!tpu.dma_semaphore, #tpu.memory_space<semaphore_mem>>)
      %dma_wait3A_49 = tpu.memref_slice %arg4[%mul3A_2] : memref<4096xi32, #tpu.memory_space<hbm>> -> memref<128xi32, #tpu.memory_space<hbm>>
      %dma_wait3A_50 = tpu.memref_slice %arg4[%mul3A_2] : memref<4096xi32, #tpu.memory_space<hbm>> -> memref<128xi32, #tpu.memory_space<hbm>>
      tpu.wait_dma2 semaphore(%run_scoped3A : memref<!tpu.dma_semaphore, #tpu.memory_space<semaphore_mem>>) src(%dma_wait3A_50 : memref<128xi32, #tpu.memory_space<hbm>>) dst(%arg10 : memref<128xi32, #tpu.memory_space<vmem>>)
      tpu.yield
    }) : () -> ()
    "tpu.region"() ({
      %run_scoped3A = tpu.sem_alloc : memref<!tpu.dma_semaphore, #tpu.memory_space<semaphore_mem>>
      %dma_start3A_47 = tpu.memref_slice %arg5[%mul3A_4] : memref<1024xi32, #tpu.memory_space<hbm>> -> memref<32xi32, #tpu.memory_space<hbm>>
      %dma_start3A_48 = tpu.memref_slice %arg5[%mul3A_4] : memref<1024xi32, #tpu.memory_space<hbm>> -> memref<32xi32, #tpu.memory_space<hbm>>
      tpu.enqueue_dma source(%dma_start3A_48 : memref<32xi32, #tpu.memory_space<hbm>>) target(%arg11 : memref<32xi32, #tpu.memory_space<vmem>>) target_semaphore(%run_scoped3A : memref<!tpu.dma_semaphore, #tpu.memory_space<semaphore_mem>>)
      %dma_wait3A_49 = tpu.memref_slice %arg5[%mul3A_4] : memref<1024xi32, #tpu.memory_space<hbm>> -> memref<32xi32, #tpu.memory_space<hbm>>
      %dma_wait3A_50 = tpu.memref_slice %arg5[%mul3A_4] : memref<1024xi32, #tpu.memory_space<hbm>> -> memref<32xi32, #tpu.memory_space<hbm>>
      tpu.wait_dma2 semaphore(%run_scoped3A : memref<!tpu.dma_semaphore, #tpu.memory_space<semaphore_mem>>) src(%dma_wait3A_50 : memref<32xi32, #tpu.memory_space<hbm>>) dst(%arg11 : memref<32xi32, #tpu.memory_space<vmem>>)
      tpu.yield
    }) : () -> ()
    %dma_start3A = arith.constant 0 : i32
    %dma_start3A_5 = arith.constant 0 : i32
    %dma_start3A_6 = tpu.memref_slice %arg2[%dma_start3A, %dma_start3A_5] : memref<100000x128xf32, #tpu.memory_space<hbm>> -> memref<100000x128xf32, #tpu.memory_space<hbm>>
    tpu.enqueue_indirect_dma source(%dma_start3A_6 : memref<100000x128xf32, #tpu.memory_space<hbm>>) target(%arg12 : memref<128x128xf32, #tpu.memory_space<vmem>>) offsets(%arg10 : memref<128xi32, #tpu.memory_space<vmem>>) semaphore(%arg16 : memref<!tpu.dma_semaphore, #tpu.memory_space<semaphore_mem>>)
    %dma_start3A_7 = arith.constant 0 : i32
    %dma_start3A_8 = arith.constant 0 : i32
    %dma_start3A_9 = tpu.memref_slice %arg2[%dma_start3A_7, %dma_start3A_8] : memref<100000x128xf32, #tpu.memory_space<hbm>> -> memref<100000x128xf32, #tpu.memory_space<hbm>>
    tpu.enqueue_indirect_dma source(%dma_start3A_9 : memref<100000x128xf32, #tpu.memory_space<hbm>>) target(%arg13 : memref<32x128xf32, #tpu.memory_space<vmem>>) offsets(%arg11 : memref<32xi32, #tpu.memory_space<vmem>>) semaphore(%arg17 : memref<!tpu.dma_semaphore, #tpu.memory_space<semaphore_mem>>)
    %dma_start3A_10 = arith.constant 0 : i32
    %dma_start3A_11 = tpu.memref_slice %arg3[%dma_start3A_10] : memref<100000xf32, #tpu.memory_space<hbm>> -> memref<100000xf32, #tpu.memory_space<hbm>>
    tpu.enqueue_indirect_dma source(%dma_start3A_11 : memref<100000xf32, #tpu.memory_space<hbm>>) target(%arg14 : memref<128xf32, #tpu.memory_space<vmem>>) offsets(%arg10 : memref<128xi32, #tpu.memory_space<vmem>>) semaphore(%arg18 : memref<!tpu.dma_semaphore, #tpu.memory_space<semaphore_mem>>)
    %dma_start3A_12 = arith.constant 0 : i32
    %dma_start3A_13 = tpu.memref_slice %arg3[%dma_start3A_12] : memref<100000xf32, #tpu.memory_space<hbm>> -> memref<100000xf32, #tpu.memory_space<hbm>>
    tpu.enqueue_indirect_dma source(%dma_start3A_13 : memref<100000xf32, #tpu.memory_space<hbm>>) target(%arg15 : memref<32xf32, #tpu.memory_space<vmem>>) offsets(%arg11 : memref<32xi32, #tpu.memory_space<vmem>>) semaphore(%arg19 : memref<!tpu.dma_semaphore, #tpu.memory_space<semaphore_mem>>)
    %dma_wait3A = arith.constant 0 : i32
    %dma_wait3A_14 = arith.constant 0 : i32
    %dma_wait3A_15 = tpu.memref_slice %arg2[%dma_wait3A, %dma_wait3A_14] : memref<100000x128xf32, #tpu.memory_space<hbm>> -> memref<100000x128xf32, #tpu.memory_space<hbm>>
    tpu.wait_indirect_dma semaphore(%arg16 : memref<!tpu.dma_semaphore, #tpu.memory_space<semaphore_mem>>) src(%dma_wait3A_15 : memref<100000x128xf32, #tpu.memory_space<hbm>>) dst(%arg12 : memref<128x128xf32, #tpu.memory_space<vmem>>)
    %dma_start3A_16 = arith.constant 0 : i32
    %dma_start3A_17 = tpu.memref_slice %arg6[%mul3A_2, %dma_start3A_16] : memref<4096x128xf32, #tpu.memory_space<hbm>> -> memref<128x128xf32, #tpu.memory_space<hbm>>
    %dma_start3A_18 = arith.constant 0 : i32
    %dma_start3A_19 = tpu.memref_slice %arg6[%mul3A_2, %dma_start3A_18] : memref<4096x128xf32, #tpu.memory_space<hbm>> -> memref<128x128xf32, #tpu.memory_space<hbm>>
    tpu.enqueue_dma source(%arg12 : memref<128x128xf32, #tpu.memory_space<vmem>>) target(%dma_start3A_19 : memref<128x128xf32, #tpu.memory_space<hbm>>) target_semaphore(%arg20 : memref<!tpu.dma_semaphore, #tpu.memory_space<semaphore_mem>>)
    %dma_wait3A_20 = arith.constant 0 : i32
    %dma_wait3A_21 = arith.constant 0 : i32
    %dma_wait3A_22 = tpu.memref_slice %arg2[%dma_wait3A_20, %dma_wait3A_21] : memref<100000x128xf32, #tpu.memory_space<hbm>> -> memref<100000x128xf32, #tpu.memory_space<hbm>>
    tpu.wait_indirect_dma semaphore(%arg17 : memref<!tpu.dma_semaphore, #tpu.memory_space<semaphore_mem>>) src(%dma_wait3A_22 : memref<100000x128xf32, #tpu.memory_space<hbm>>) dst(%arg13 : memref<32x128xf32, #tpu.memory_space<vmem>>)
    %dma_start3A_23 = arith.constant 0 : i32
    %dma_start3A_24 = tpu.memref_slice %arg8[%mul3A_4, %dma_start3A_23] : memref<1024x128xf32, #tpu.memory_space<hbm>> -> memref<32x128xf32, #tpu.memory_space<hbm>>
    %dma_start3A_25 = arith.constant 0 : i32
    %dma_start3A_26 = tpu.memref_slice %arg8[%mul3A_4, %dma_start3A_25] : memref<1024x128xf32, #tpu.memory_space<hbm>> -> memref<32x128xf32, #tpu.memory_space<hbm>>
    tpu.enqueue_dma source(%arg13 : memref<32x128xf32, #tpu.memory_space<vmem>>) target(%dma_start3A_26 : memref<32x128xf32, #tpu.memory_space<hbm>>) target_semaphore(%arg21 : memref<!tpu.dma_semaphore, #tpu.memory_space<semaphore_mem>>)
    %dma_wait3A_27 = arith.constant 0 : i32
    %dma_wait3A_28 = tpu.memref_slice %arg3[%dma_wait3A_27] : memref<100000xf32, #tpu.memory_space<hbm>> -> memref<100000xf32, #tpu.memory_space<hbm>>
    tpu.wait_indirect_dma semaphore(%arg18 : memref<!tpu.dma_semaphore, #tpu.memory_space<semaphore_mem>>) src(%dma_wait3A_28 : memref<100000xf32, #tpu.memory_space<hbm>>) dst(%arg14 : memref<128xf32, #tpu.memory_space<vmem>>)
    %dma_start3A_29 = tpu.memref_slice %arg7[%mul3A_2] : memref<4096xf32, #tpu.memory_space<hbm>> -> memref<128xf32, #tpu.memory_space<hbm>>
    %dma_start3A_30 = tpu.memref_slice %arg7[%mul3A_2] : memref<4096xf32, #tpu.memory_space<hbm>> -> memref<128xf32, #tpu.memory_space<hbm>>
    tpu.enqueue_dma source(%arg14 : memref<128xf32, #tpu.memory_space<vmem>>) target(%dma_start3A_30 : memref<128xf32, #tpu.memory_space<hbm>>) target_semaphore(%arg22 : memref<!tpu.dma_semaphore, #tpu.memory_space<semaphore_mem>>)
    %dma_wait3A_31 = arith.constant 0 : i32
    %dma_wait3A_32 = tpu.memref_slice %arg3[%dma_wait3A_31] : memref<100000xf32, #tpu.memory_space<hbm>> -> memref<100000xf32, #tpu.memory_space<hbm>>
    tpu.wait_indirect_dma semaphore(%arg19 : memref<!tpu.dma_semaphore, #tpu.memory_space<semaphore_mem>>) src(%dma_wait3A_32 : memref<100000xf32, #tpu.memory_space<hbm>>) dst(%arg15 : memref<32xf32, #tpu.memory_space<vmem>>)
    %dma_start3A_33 = tpu.memref_slice %arg9[%mul3A_4] : memref<1024xf32, #tpu.memory_space<hbm>> -> memref<32xf32, #tpu.memory_space<hbm>>
    %dma_start3A_34 = tpu.memref_slice %arg9[%mul3A_4] : memref<1024xf32, #tpu.memory_space<hbm>> -> memref<32xf32, #tpu.memory_space<hbm>>
    tpu.enqueue_dma source(%arg15 : memref<32xf32, #tpu.memory_space<vmem>>) target(%dma_start3A_34 : memref<32xf32, #tpu.memory_space<hbm>>) target_semaphore(%arg23 : memref<!tpu.dma_semaphore, #tpu.memory_space<semaphore_mem>>)
    %dma_wait3A_35 = arith.constant 0 : i32
    %dma_wait3A_36 = tpu.memref_slice %arg6[%mul3A_2, %dma_wait3A_35] : memref<4096x128xf32, #tpu.memory_space<hbm>> -> memref<128x128xf32, #tpu.memory_space<hbm>>
    %dma_wait3A_37 = arith.constant 0 : i32
    %dma_wait3A_38 = tpu.memref_slice %arg6[%mul3A_2, %dma_wait3A_37] : memref<4096x128xf32, #tpu.memory_space<hbm>> -> memref<128x128xf32, #tpu.memory_space<hbm>>
    tpu.wait_dma2 semaphore(%arg20 : memref<!tpu.dma_semaphore, #tpu.memory_space<semaphore_mem>>) src(%arg12 : memref<128x128xf32, #tpu.memory_space<vmem>>) dst(%dma_wait3A_38 : memref<128x128xf32, #tpu.memory_space<hbm>>)
    %dma_wait3A_39 = arith.constant 0 : i32
    %dma_wait3A_40 = tpu.memref_slice %arg8[%mul3A_4, %dma_wait3A_39] : memref<1024x128xf32, #tpu.memory_space<hbm>> -> memref<32x128xf32, #tpu.memory_space<hbm>>
    %dma_wait3A_41 = arith.constant 0 : i32
    %dma_wait3A_42 = tpu.memref_slice %arg8[%mul3A_4, %dma_wait3A_41] : memref<1024x128xf32, #tpu.memory_space<hbm>> -> memref<32x128xf32, #tpu.memory_space<hbm>>
    tpu.wait_dma2 semaphore(%arg21 : memref<!tpu.dma_semaphore, #tpu.memory_space<semaphore_mem>>) src(%arg13 : memref<32x128xf32, #tpu.memory_space<vmem>>) dst(%dma_wait3A_42 : memref<32x128xf32, #tpu.memory_space<hbm>>)
    %dma_wait3A_43 = tpu.memref_slice %arg7[%mul3A_2] : memref<4096xf32, #tpu.memory_space<hbm>> -> memref<128xf32, #tpu.memory_space<hbm>>
    %dma_wait3A_44 = tpu.memref_slice %arg7[%mul3A_2] : memref<4096xf32, #tpu.memory_space<hbm>> -> memref<128xf32, #tpu.memory_space<hbm>>
    tpu.wait_dma2 semaphore(%arg22 : memref<!tpu.dma_semaphore, #tpu.memory_space<semaphore_mem>>) src(%arg14 : memref<128xf32, #tpu.memory_space<vmem>>) dst(%dma_wait3A_44 : memref<128xf32, #tpu.memory_space<hbm>>)
    %dma_wait3A_45 = tpu.memref_slice %arg9[%mul3A_4] : memref<1024xf32, #tpu.memory_space<hbm>> -> memref<32xf32, #tpu.memory_space<hbm>>
    %dma_wait3A_46 = tpu.memref_slice %arg9[%mul3A_4] : memref<1024xf32, #tpu.memory_space<hbm>> -> memref<32xf32, #tpu.memory_space<hbm>>
    tpu.wait_dma2 semaphore(%arg23 : memref<!tpu.dma_semaphore, #tpu.memory_space<semaphore_mem>>) src(%arg15 : memref<32xf32, #tpu.memory_space<vmem>>) dst(%dma_wait3A_46 : memref<32xf32, #tpu.memory_space<hbm>>)
    return
  }
}

module attributes {stable_mosaic.version = 14 : i64} {
  func.func @_tc_body(%arg0: i32, %arg1: memref<2048x4x128xf32, #tpu.memory_space<vmem>>, %arg2: memref<2048x4xi32, #tpu.memory_space<vmem>>, %arg3: memref<2048x128xf32, #tpu.memory_space<vmem>>, %arg4: memref<2048x1xf32, #tpu.memory_space<vmem>>, %arg5: memref<1024x128xf32, #tpu.memory_space<vmem>>, %arg6: memref<1x1024xf32, #tpu.memory_space<vmem>>, %arg7: memref<1x1024xf32, #tpu.memory_space<vmem>>, %arg8: memref<1x1024xi32, #tpu.memory_space<vmem>>, %arg9: memref<1x1xf32, #tpu.memory_space<smem>>) attributes {dimension_semantics = [#tpu.dimension_semantics<arbitrary>], iteration_bounds = array<i64: 2>, scalar_prefetch = 0 : i64, scratch_operands = 0 : i64, tpu.core_type = #tpu.core_type<tc>, window_params = [{transform_indices = @transform_0, window_bounds = array<i64: 2048, 4, 128>}, {transform_indices = @transform_1, window_bounds = array<i64: 2048, 4>}, {transform_indices = @transform_2, window_bounds = array<i64: 2048, 128>}, {transform_indices = @transform_3, window_bounds = array<i64: 2048, 1>}, {pipeline_mode = #tpu.pipeline_mode<synchronous>, transform_indices = @transform_4, window_bounds = array<i64: 1024, 128>}, {pipeline_mode = #tpu.pipeline_mode<synchronous>, transform_indices = @transform_5, window_bounds = array<i64: 1, 1024>}, {pipeline_mode = #tpu.pipeline_mode<synchronous>, transform_indices = @transform_6, window_bounds = array<i64: 1, 1024>}, {pipeline_mode = #tpu.pipeline_mode<synchronous>, transform_indices = @transform_7, window_bounds = array<i64: 1, 1024>}, {transform_indices = @transform_8, window_bounds = array<i64: 1, 1>}]} {
    %get3A = arith.constant 0 : index
    %get3A_0 = arith.constant 2 : index
    %get3A_1 = arith.constant 0 : index
    %get3A_2 = vector.load %arg1[%get3A, %get3A_0, %get3A_1] : memref<2048x4x128xf32, #tpu.memory_space<vmem>>, vector<2048x1x128xf32>
    %get3A_3 = vector.shape_cast %get3A_2 : vector<2048x1x128xf32> to vector<2048x128xf32>
    %broadcast_in_dim3A = arith.constant 1.000000e+00 : f32
    %broadcast_in_dim3A_4 = vector.broadcast %broadcast_in_dim3A : f32 to vector<1024x128xf32>
    %broadcast_in_dim3A_5 = arith.constant 1.000000e+00 : f32
    %broadcast_in_dim3A_6 = vector.broadcast %broadcast_in_dim3A_5 : f32 to vector<128x128xf32>
    %get3A_7 = arith.constant 0 : index
    %get3A_8 = arith.constant 0 : index
    %get3A_9 = vector.load %arg5[%get3A_7, %get3A_8] : memref<1024x128xf32, #tpu.memory_space<vmem>>, vector<1024x128xf32>
    %dot_general3A = arith.constant dense<0.000000e+00> : vector<2048x1024xf32>
    %dot_general3A_10 = tpu.matmul %get3A_3, %get3A_9, %dot_general3A {dimension_numbers = #tpu.dot_dimension_numbers<[1], [1], [0], [0], [0, 0, 1, 0], [], []>, transpose_lhs_hint = false} : vector<2048x128xf32>, vector<1024x128xf32>, vector<2048x1024xf32> -> vector<2048x1024xf32>
    %get3A_11 = arith.constant 0 : index
    %get3A_12 = arith.constant 0 : index
    %get3A_13 = vector.load %arg6[%get3A_11, %get3A_12] : memref<1x1024xf32, #tpu.memory_space<vmem>>, vector<1x1024xf32>
    %get3A_14 = arith.constant 0 : index
    %get3A_15 = arith.constant 0 : index
    %get3A_16 = vector.load %arg7[%get3A_14, %get3A_15] : memref<1x1024xf32, #tpu.memory_space<vmem>>, vector<1x1024xf32>
    %add3A = arith.addf %get3A_13, %get3A_16 : vector<1x1024xf32>
    %add3A_17 = vector.broadcast %add3A : vector<1x1024xf32> to vector<2048x1024xf32>
    %add3A_18 = arith.addf %dot_general3A_10, %add3A_17 : vector<2048x1024xf32>
    %get3A_19 = arith.constant 0 : index
    %get3A_20 = arith.constant 3 : index
    %get3A_21 = vector.load %arg2[%get3A_19, %get3A_20] : memref<2048x4xi32, #tpu.memory_space<vmem>>, vector<2048x1xi32>
    %get3A_22 = arith.constant 0 : index
    %get3A_23 = arith.constant 0 : index
    %get3A_24 = vector.load %arg8[%get3A_22, %get3A_23] : memref<1x1024xi32, #tpu.memory_space<vmem>>, vector<1x1024xi32>
    %eq3A = vector.broadcast %get3A_21 : vector<2048x1xi32> to vector<2048x1024xi32>
    %eq3A_25 = vector.broadcast %get3A_24 : vector<1x1024xi32> to vector<2048x1024xi32>
    %eq3A_26 = arith.cmpi eq, %eq3A, %eq3A_25 : vector<2048x1024xi32>
    %sub3A = arith.constant 1.000000e+09 : f32
    %sub3A_27 = vector.broadcast %sub3A : f32 to vector<2048x1024xf32>
    %sub3A_28 = arith.subf %add3A_18, %sub3A_27 : vector<2048x1024xf32>
    %select_n3A = arith.select %eq3A_26, %sub3A_28, %add3A_18 : vector<2048x1024xi1>, vector<2048x1024xf32>
    %exp3A = math.exp %select_n3A : vector<2048x1024xf32>
    %dot_general3A_29 = arith.constant dense<0.000000e+00> : vector<2048x128xf32>
    %dot_general3A_30 = tpu.matmul %exp3A, %broadcast_in_dim3A_4, %dot_general3A_29 {dimension_numbers = #tpu.dot_dimension_numbers<[1], [0], [0], [1], [0, 0, 1, 1], [], []>, transpose_lhs_hint = false} : vector<2048x1024xf32>, vector<1024x128xf32>, vector<2048x128xf32> -> vector<2048x128xf32>
    %slice3A = vector.extract_strided_slice %dot_general3A_30 {offsets = [0, 0], sizes = [2048, 1], strides = [1, 1]} : vector<2048x128xf32> to vector<2048x1xf32>
    %get3A_31 = arith.constant 0 : index
    %get3A_32 = arith.constant 0 : index
    %get3A_33 = vector.load %arg3[%get3A_31, %get3A_32] : memref<2048x128xf32, #tpu.memory_space<vmem>>, vector<2048x128xf32>
    %mul3A = arith.mulf %get3A_3, %get3A_33 : vector<2048x128xf32>
    %dot_general3A_34 = arith.constant dense<0.000000e+00> : vector<2048x128xf32>
    %dot_general3A_35 = tpu.matmul %mul3A, %broadcast_in_dim3A_6, %dot_general3A_34 {dimension_numbers = #tpu.dot_dimension_numbers<[1], [0], [0], [1], [0, 0, 1, 1], [], []>, transpose_lhs_hint = false} : vector<2048x128xf32>, vector<128x128xf32>, vector<2048x128xf32> -> vector<2048x128xf32>
    %slice3A_36 = vector.extract_strided_slice %dot_general3A_35 {offsets = [0, 0], sizes = [2048, 1], strides = [1, 1]} : vector<2048x128xf32> to vector<2048x1xf32>
    %convert_element_type3A = arith.sitofp %get3A_21 : vector<2048x1xi32> to vector<2048x1xf32>
    %add3A_37 = arith.constant 2.000000e+00 : f32
    %add3A_38 = vector.broadcast %add3A_37 : f32 to vector<2048x1xf32>
    %add3A_39 = arith.addf %convert_element_type3A, %add3A_38 : vector<2048x1xf32>
    %log3A = math.log %add3A_39 : vector<2048x1xf32>
    %add3A_40 = arith.constant 1.000000e+00 : f32
    %add3A_41 = vector.broadcast %add3A_40 : f32 to vector<2048x1xf32>
    %add3A_42 = arith.addf %convert_element_type3A, %add3A_41 : vector<2048x1xf32>
    %log3A_43 = math.log %add3A_42 : vector<2048x1xf32>
    %sub3A_44 = arith.subf %log3A, %log3A_43 : vector<2048x1xf32>
    %div3A = arith.constant 11.5129356 : f32
    %div3A_45 = vector.broadcast %div3A : f32 to vector<2048x1xf32>
    %div3A_46 = arith.divf %sub3A_44, %div3A_45 : vector<2048x1xf32>
    %sub3A_47 = arith.constant 1.000000e+00 : f32
    %sub3A_48 = vector.broadcast %sub3A_47 : f32 to vector<2048x1xf32>
    %sub3A_49 = arith.subf %sub3A_48, %div3A_46 : vector<2048x1xf32>
    %log3A_50 = math.log %sub3A_49 : vector<2048x1xf32>
    %mul3A_51 = arith.constant 1.024000e+03 : f32
    %mul3A_52 = vector.broadcast %mul3A_51 : f32 to vector<2048x1xf32>
    %mul3A_53 = arith.mulf %mul3A_52, %log3A_50 : vector<2048x1xf32>
    %exp3A_54 = math.exp %mul3A_53 : vector<2048x1xf32>
    %sub3A_55 = arith.constant 1.000000e+00 : f32
    %sub3A_56 = vector.broadcast %sub3A_55 : f32 to vector<2048x1xf32>
    %sub3A_57 = arith.subf %sub3A_56, %exp3A_54 : vector<2048x1xf32>
    %get3A_58 = arith.constant 0 : index
    %get3A_59 = arith.constant 0 : index
    %get3A_60 = vector.load %arg4[%get3A_58, %get3A_59] : memref<2048x1xf32, #tpu.memory_space<vmem>>, vector<2048x1xf32>
    %add3A_61 = arith.addf %slice3A_36, %get3A_60 : vector<2048x1xf32>
    %add3A_62 = arith.constant 9.99999968E-21 : f32
    %add3A_63 = vector.broadcast %add3A_62 : f32 to vector<2048x1xf32>
    %add3A_64 = arith.addf %sub3A_57, %add3A_63 : vector<2048x1xf32>
    %log3A_65 = math.log %add3A_64 : vector<2048x1xf32>
    %sub3A_66 = arith.subf %add3A_61, %log3A_65 : vector<2048x1xf32>
    %exp3A_67 = math.exp %sub3A_66 : vector<2048x1xf32>
    %add3A_68 = arith.addf %slice3A, %exp3A_67 : vector<2048x1xf32>
    %log3A_69 = math.log %add3A_68 : vector<2048x1xf32>
    %sub3A_70 = arith.subf %log3A_69, %sub3A_66 : vector<2048x1xf32>
    %eq3A_71 = arith.constant 0 : i32
    %eq3A_72 = arith.cmpi eq, %arg0, %eq3A_71 : i32
    %convert_element_type3A_73 = arith.extui %eq3A_72 : i1 to i32
    %cond3A = arith.constant 0 : i32
    %cond3A_74 = arith.cmpi ne, %convert_element_type3A_73, %cond3A : i32
    scf.if %cond3A_74 {
      %swap3A_90 = arith.constant 0.000000e+00 : f32
      %swap3A_91 = arith.constant 0 : index
      %swap3A_92 = arith.constant 0 : index
      %swap3A_93 = memref.load %arg9[%swap3A_91, %swap3A_92] : memref<1x1xf32, #tpu.memory_space<smem>>
      memref.store %swap3A_90, %arg9[%swap3A_91, %swap3A_92] : memref<1x1xf32, #tpu.memory_space<smem>>
    } else {
    }
    %get3A_75 = arith.constant 0 : index
    %get3A_76 = arith.constant 0 : index
    %get3A_77 = memref.load %arg9[%get3A_75, %get3A_76] : memref<1x1xf32, #tpu.memory_space<smem>>
    %reduce_sum3A = vector.shape_cast %sub3A_70 : vector<2048x1xf32> to vector<1x2048x1xf32>
    %reduce_sum3A_78 = arith.constant dense<0.000000e+00> : vector<1xf32>
    %reduce_sum3A_79 = vector.multi_reduction <add>, %reduce_sum3A, %reduce_sum3A_78 [1, 2] : vector<1x2048x1xf32> to vector<1xf32>
    %reduce_sum3A_80 = vector.shape_cast %reduce_sum3A_79 : vector<1xf32> to vector<1x1x1xf32>
    %reduce_sum3A_81 = vector.extract %reduce_sum3A_80[0, 0, 0] : f32 from vector<1x1x1xf32>
    %add3A_82 = arith.addf %get3A_77, %reduce_sum3A_81 : f32
    %swap3A = arith.constant 0 : index
    %swap3A_83 = arith.constant 0 : index
    %swap3A_84 = memref.load %arg9[%swap3A, %swap3A_83] : memref<1x1xf32, #tpu.memory_space<smem>>
    memref.store %add3A_82, %arg9[%swap3A, %swap3A_83] : memref<1x1xf32, #tpu.memory_space<smem>>
    %eq3A_85 = arith.constant 1 : i32
    %eq3A_86 = arith.cmpi eq, %arg0, %eq3A_85 : i32
    %convert_element_type3A_87 = arith.extui %eq3A_86 : i1 to i32
    %cond3A_88 = arith.constant 0 : i32
    %cond3A_89 = arith.cmpi ne, %convert_element_type3A_87, %cond3A_88 : i32
    scf.if %cond3A_89 {
      %get3A_90 = arith.constant 0 : index
      %get3A_91 = arith.constant 0 : index
      %get3A_92 = memref.load %arg9[%get3A_90, %get3A_91] : memref<1x1xf32, #tpu.memory_space<smem>>
      %mul3A_93 = arith.constant 2.44140629E-5 : f32
      %mul3A_94 = arith.mulf %get3A_92, %mul3A_93 : f32
      %swap3A_95 = arith.constant 0 : index
      %swap3A_96 = arith.constant 0 : index
      %swap3A_97 = memref.load %arg9[%swap3A_95, %swap3A_96] : memref<1x1xf32, #tpu.memory_space<smem>>
      memref.store %mul3A_94, %arg9[%swap3A_95, %swap3A_96] : memref<1x1xf32, #tpu.memory_space<smem>>
    } else {
    }
    return
  }
  func.func @transform_0(%arg0: i32) -> (i32, i32, i32) {
    %c0_i32 = arith.constant 0 : i32
    %c0_i32_0 = arith.constant 0 : i32
    %c0_i32_1 = arith.constant 0 : i32
    return %arg0, %c0_i32, %c0_i32_0 : i32, i32, i32
  }
  func.func @transform_1(%arg0: i32) -> (i32, i32) {
    %c0_i32 = arith.constant 0 : i32
    %c0_i32_0 = arith.constant 0 : i32
    return %arg0, %c0_i32 : i32, i32
  }
  func.func @transform_2(%arg0: i32) -> (i32, i32) {
    %c0_i32 = arith.constant 0 : i32
    %c0_i32_0 = arith.constant 0 : i32
    return %arg0, %c0_i32 : i32, i32
  }
  func.func @transform_3(%arg0: i32) -> (i32, i32) {
    %c0_i32 = arith.constant 0 : i32
    %c0_i32_0 = arith.constant 0 : i32
    return %arg0, %c0_i32 : i32, i32
  }
  func.func @transform_4(%arg0: i32) -> (i32, i32) {
    %c0_i32 = arith.constant 0 : i32
    %c0_i32_0 = arith.constant 0 : i32
    %c0_i32_1 = arith.constant 0 : i32
    return %c0_i32, %c0_i32_0 : i32, i32
  }
  func.func @transform_5(%arg0: i32) -> (i32, i32) {
    %c0_i32 = arith.constant 0 : i32
    %c0_i32_0 = arith.constant 0 : i32
    %c0_i32_1 = arith.constant 0 : i32
    return %c0_i32, %c0_i32_0 : i32, i32
  }
  func.func @transform_6(%arg0: i32) -> (i32, i32) {
    %c0_i32 = arith.constant 0 : i32
    %c0_i32_0 = arith.constant 0 : i32
    %c0_i32_1 = arith.constant 0 : i32
    return %c0_i32, %c0_i32_0 : i32, i32
  }
  func.func @transform_7(%arg0: i32) -> (i32, i32) {
    %c0_i32 = arith.constant 0 : i32
    %c0_i32_0 = arith.constant 0 : i32
    %c0_i32_1 = arith.constant 0 : i32
    return %c0_i32, %c0_i32_0 : i32, i32
  }
  func.func @transform_8(%arg0: i32) -> (i32, i32) {
    %c0_i32 = arith.constant 0 : i32
    %c0_i32_0 = arith.constant 0 : i32
    %c0_i32_1 = arith.constant 0 : i32
    return %c0_i32, %c0_i32_0 : i32, i32
  }
}

</mosaic_0001>

<sc_bundles>
// kernel: kernel.6.cloned.1.call-start
scs
__scs_entry_jumppad:
0x0: {  	(pc) =	sbr.rel $0x88, $3  }
0x1: {  	(tag) =	ssettag $0x0;
	lr =	simm.s32 $0x1  }
0x2: {  	[smem:$0x3F9D] =	sst lr;
	_ =	strace $0xD0000000  }
0x3: {  	_ = 	snop  }
0x4: {  	_ = 	snop  }
0x5: {  	_ = 	snop  }
0x6: {  	_ = 	snop  }
0x7: {  	_ = 	snop  }
__scs_overlays_trampoline_lowered:
0x8: {  	[smem:$0x3FAC] =	sst s0  }
0x9: {  	[smem:$0x3FAD] =	sst s1  }
0xa: {  	[smem:$0x3FAE] =	sst s2  }
0xb: {  	[smem:$0x3FAF] =	sst s3  }
0xc: {  	[smem:$0x3FB0] =	sst s4  }
0xd: {  	[smem:$0x3FB1] =	sst s5  }
0xe: {  	[smem:$0x3FB2] =	sst s6  }
0xf: {  	[smem:$0x3FB3] =	sst s7  }
0x10: {  	[smem:$0x3FB4] =	sst s8  }
0x11: {  	[smem:$0x3FB5] =	sst s9;
	s0 =	simm.s32 @!p0 $0x0  }
0x12: {  	s1 =	sld [smem:$0x3F9B];
	s0 =	simm.s32 @p0 $0x1  }
0x13: {  	[smem:$0x3FB6] =	sst s0;
	s0 =	simm.s32 @!p1 $0x0  }
0x14: {  	s2 =	sld [smem:$0x3F9A];
	s0 =	simm.s32 @p1 $0x1  }
0x15: {  	[smem:$0x3FB7] =	sst s0;
	s0 =	simm.s32 @!p2 $0x0  }
0x16: {  	s3 =	sld [smem:$0x3FDB];
	s0 =	simm.s32 @p2 $0x1  }
0x17: {  	s4 =	simm.s32 $0x1BF5;
	[smem:$0x3FB9] =	sst s0  }
0x18: {  	s0 =	sld [smem:$0x3F9C];
	_ =	swait.ge [sflag:s4], $0x0  }
0x19: {  	s7 =	sld [smem:$0x3F9D]  }
0x1a: {  	s8 =	sadd.s32 $0xFFFFE003, lr  }
0x1b: {  	s9 =	sadd.s32 $0xFFFFFEF7, lr;
	s5 =	simm.s32 $0xFFFFFFFF;
	p2 =	slt.u32 s8, $0xFFFFF086  }
0x1c: {  	p1 =	slt.u32 s9, $0xF7A;
	s5 =	simm.s32 @!p2 $0x0  }
0x1d: {  	s5 =	simm.s32 @p1 $0x1;
	p0 =	seq.s32 s7, s2  }
0x1e: {  	s7 =	smul.u32 @!p0 $0xF7A, s2;
	p2 =	seq.s32 @!p0 s5, $0x0  }
0x1f: {  	s9 =	smul.u32 $0xF7A, s1;
	s8 =	simm.s32 @!p0 $0x1BF5;
	p2 =	por !p2, p0  }
0x20: {  	[sflag:s8] =	ssyncset.s32 @!p0 $0xFFFFF086;
	s6 =	sadd.s32 @!p0 s3, s7;
	s7 =	simm.s32 @!p0 $0x108  }
0x21: {  	s3 =	sadd.s32 s3, s9;
	s6 =	sadd.s32 @!p0 $0x88, s6;
	s7 =	simm.s32 @p2 $0x1082  }
0x22: {  	[simem:s7], [sflag:s8] =	dma.local @!p0 [hbm:s6], $0xF7A  }
0x23: {  	s9 =	sor.u32 $0xD0000000, s2;
	s6 =	simm.s32 $0x108;
	_ =	swait.ge @!p0 [sflag:s8], $0x0  }
0x24: {  	s3 =	sadd.s32 $0x88, s3;
	s6 =	simm.s32 @!p1 $0x1082;
	[sflag:s4] =	ssyncset.s32 $0xFFFFF086  }
0x25: {  	[simem:s6], [sflag:s4] =	dma.local [hbm:s3], $0xF7A  }
0x26: {  	[smem:$0x3F9D] =	sst s1;
	(tag) =	ssettag s2;
	_ =	strace s9  }
0x27: {  	s1 =	sld [smem:$0x3FAD]  }
0x28: {  	s2 =	sld [smem:$0x3FAE]  }
0x29: {  	s4 =	sld [smem:$0x3FB0]  }
0x2a: {  	p0 =	seq.s32 s5, $0x0;
	s5 =	sld [smem:$0x3FB1]  }
0x2b: {  	s6 =	sld [smem:$0x3FB2]  }
0x2c: {  	s7 =	sld [smem:$0x3FB3]  }
0x2d: {  	s3 =	simm.s32 $0x108;
	s8 =	sld [smem:$0x3FB4]  }
0x2e: {  	s3 =	simm.s32 @!p0 $0x1082;
	s9 =	sld [smem:$0x3FB5]  }
0x2f: {  	lr =	sadd.s32 s0, s3;
	s0 =	sld [smem:$0x3FAC]  }
0x30: {  	s3 =	sld [smem:$0x3FAF]  }
0x31: {  	[smem:$0x3FB8] =	sst s10  }
0x32: {  	s10 =	sld [smem:$0x3FB6];
	_ =	sdelay $0x3  }
0x33: {  	p0 =	seq.s32 s10, $0x1;
	s10 =	sld [smem:$0x3FB8];
	_ =	sdelay $0x3  }
0x34: {  	[smem:$0x3FB8] =	sst s10  }
0x35: {  	s10 =	sld [smem:$0x3FB7];
	_ =	sdelay $0x3  }
0x36: {  	p1 =	seq.s32 s10, $0x1;
	s10 =	sld [smem:$0x3FB8];
	_ =	sdelay $0x3  }
0x37: {  	[smem:$0x3FB8] =	sst s10  }
0x38: {  	s10 =	sld [smem:$0x3FB9]  }
0x39: {  	_ = 	snop;
	(pc) =	sbr.ind lr, $3  }
0x3a: {  	_ = 	snop  }
0x3b: {  	_ = 	snop  }
0x3c: {  	p2 =	seq.s32 s10, $0x1;
	s10 =	sld [smem:$0x3FB8]  }
0x3d: {  	_ =	shalt  }
0x3e: {  	_ =	shalt  }
0x3f: {  	_ =	shalt  }
0x40: {  	_ =	shalt  }
0x41: {  	_ =	shalt  }
0x42: {  	_ =	shalt  }
0x43: {  	_ =	shalt  }
0x44: {  	_ =	shalt  }
0x45: {  	_ =	shalt  }
0x46: {  	_ =	shalt  }
0x47: {  	_ =	shalt  }
0x48: {  	_ =	shalt  }
0x49: {  	_ =	shalt  }
0x4a: {  	_ =	shalt  }
0x4b: {  	_ =	shalt  }
0x4c: {  	_ =	shalt  }
0x4d: {  	_ =	shalt  }
0x4e: {  	_ =	shalt  }
0x4f: {  	_ =	shalt  }
0x50: {  	_ =	shalt  }
0x51: {  	_ =	shalt  }
0x52: {  	_ =	shalt  }
0x53: {  	_ =	shalt  }
0x54: {  	_ =	shalt  }
0x55: {  	_ =	shalt  }
0x56: {  	_ =	shalt  }
0x57: {  	_ =	shalt  }
0x58: {  	_ =	shalt  }
0x59: {  	_ =	shalt  }
0x5a: {  	_ =	shalt  }
0x5b: {  	_ =	shalt  }
0x5c: {  	_ =	shalt  }
0x5d: {  	_ =	shalt  }
0x5e: {  	_ =	shalt  }
0x5f: {  	_ =	shalt  }
0x60: {  	_ =	shalt  }
0x61: {  	_ =	shalt  }
0x62: {  	_ =	shalt  }
0x63: {  	_ =	shalt  }
0x64: {  	_ =	shalt  }
0x65: {  	_ =	shalt  }
0x66: {  	_ =	shalt  }
0x67: {  	_ =	shalt  }
0x68: {  	_ =	shalt  }
0x69: {  	_ =	shalt  }
0x6a: {  	_ =	shalt  }
0x6b: {  	_ =	shalt  }
0x6c: {  	_ =	shalt  }
0x6d: {  	_ =	shalt  }
0x6e: {  	_ =	shalt  }
0x6f: {  	_ =	shalt  }
0x70: {  	_ =	shalt  }
0x71: {  	_ =	shalt  }
0x72: {  	_ =	shalt  }
0x73: {  	_ =	shalt  }
0x74: {  	_ =	shalt  }
0x75: {  	_ =	shalt  }
0x76: {  	_ =	shalt  }
0x77: {  	_ =	shalt  }
0x78: {  	_ =	shalt  }
0x79: {  	_ =	shalt  }
0x7a: {  	_ =	shalt  }
0x7b: {  	_ =	shalt  }
0x7c: {  	_ =	shalt  }
0x7d: {  	_ =	shalt  }
0x7e: {  	_ =	shalt  }
0x7f: {  	_ =	shalt  }
0x80: {  	_ =	shalt  }
0x81: {  	_ =	shalt  }
0x82: {  	_ =	shalt  }
0x83: {  	_ =	shalt  }
0x84: {  	_ =	shalt  }
0x85: {  	_ =	shalt  }
0x86: {  	_ =	shalt  }
0x87: {  	_ =	shalt  }
.Lfunc_end0:
.L_simem_size_0:
called_computation_lowered:
.L_overlay_start_0:
0x88: {  	s2 =	sld [smem:$0x3FD9]  }
0x89: {  	s3 =	sld [smem:$0x3FFE];
	_ =	sdelay $0x1  }
0x8a: {  	s1 =	srdreg.scid  }
0x8b: {  	s0 =	sand.u32 $0x1, s1  }
0x8c: {  	s17 =	sshll.u32 s0, $0xA;
	s2 =	sadd.s32 s3, s2  }
0x8d: {  	s2 =	sadd.s32 s2, s17  }
0x8e: {  	[smem:$0x3FC4] =	sst s2  }
0x8f: {  	_ = 	snop  }
0x90: {  	s2 =	sld [smem:$0x3FC7]  }
0x91: {  	s18 =	sld [smem:$0x3FC6];
	(tm) =	ssettm $0x1  }
0x92: {  	s4 =	sld [smem:$0x3FFB];
	_ =	sdelay $0x3  }
0x93: {  	_ =	strace s4  }
0x94: {  	s4 =	sld [smem:$0x3FFC];
	_ =	sdelay $0x3  }
0x95: {  	_ =	strace s4  }
0x96: {  	s4 =	sld [smem:$0x3FFD];
	_ =	sdelay $0x3  }
0x97: {  	_ =	strace s4  }
0x98: {  	_ =	strace $0x8FFFFFFF  }
0x99: {  	s19 =	sld [smem:$0x3FDB];
	_ =	sdelay $0x1  }
0x9a: {  	s5 =	simm.s32 $_scs_section_size  }
0x9b: {  	s6 =	simm.s32 $_size__tile_overlayer_lowered;
	s7 =	simm.s32 $_tile_overlayer_lowered  }
0x9c: {  	s22 =	simm.s32 $0x1BFF;
	s21 =	sshll.u32 s7, $0x1;
	s4 =	sadd.s32 s5, s19  }
0x9d: {  	s8 =	simm.s32 $0x0;
	s20 =	sshll.u32 s6, $0x1;
	s6 =	sadd.s32 s21, s4  }
0x9e: {  	[timem:s8], [sflag:s22] =	dma.local [hbm:s6], s20  }
0x9f: {  	_ =	swait.ge [sflag:s22], s20  }
0xa0: {  	s5 =	ssub.s32 $0x0, s20;
	[sflag:s22] =	ssyncset.done $0x0  }
0xa1: {  	[sflag:s22] =	ssyncadd.s32 s5;
	_ =	sdelay $0x1  }
0xa2: {  	s23 =	simm.s32 $0x1B8B  }
0xa3: {  	_ =	swait.ge [sflag:s23], $0x1  }
0xa4: {  	[sflag:s23] =	ssyncset.done $0x0  }
0xa5: {  	s25 =	simm.s32 $0x1B8E;
	s24 =	sld [smem:$0x3FFE];
	[sflag:s23] =	ssyncadd.s32 $0xFFFFFFFF  }
0xa6: {  	s26 =	simm.s32 $execute0_lowered;
	[smem:$0x3FD2] =	sst s25  }
0xa7: {  	s6 =	sshll.u32 s26, $0x1;
	_ =	strace $0x80000046;
	[dreg:$0x1] =	wrdreg $0xFFFFFFFF  }
0xa8: {  	s28 =	simm.s32 $_size_execute0_lowered;
	s4 =	sadd.s32 s4, s6;
	[dreg:$0x0] =	wrdreg $0x0  }
0xa9: {  	s6 =	sshll.u32 s28, $0x1;
	[dreg:$0x2] =	wrdreg s4  }
0xaa: {  	[dreg:$0x3] =	wrdreg s6  }
0xab: {  	[dreg:$0x4] =	wrdreg $0xC0  }
0xac: {  	_ =	task [dreg:s8], $0x5FFFF  }
0xad: {  	[dreg:$0x1] =	wrdreg $0xFFFFFFFF  }
0xae: {  	[dreg:$0x0] =	wrdreg $0x60  }
0xaf: {  	[dreg:$0x2] =	wrdreg s2  }
0xb0: {  	[dreg:$0x3] =	wrdreg s18  }
0xb1: {  	[dreg:$0x4] =	wrdreg s24  }
0xb2: {  	[dreg:$0x5] =	wrdreg $0x9  }
0xb3: {  	_ =	task.clear_ibuf [dreg:s8], $0x6FFFF;
	_ =	strace $0x90000046  }
0xb4: {  	s29 =	simm.s32 $0x9;
	_ =	strace $0x80000048  }
0xb5: {  	_ =	swait.ge [sflag:s29], $0x1  }
0xb6: {  	[sflag:s29] =	ssyncadd.s32 $0xFFFFFFFF  }
0xb7: {  	_ =	strace $0x90000048  }
0xb8: {  	_ =	sfence  }
0xb9: {  	s30 =	sld [smem:$0x0];
	_ =	sdelay $0x2  }
0xba: {  	s31 =	sshll.u32 s1, $0xD;
	s1 =	sshrl.u32 s1, $0x2  }
0xbb: {  	s3 =	sand.u32 $0x4000, s31;
	s1 =	sadd.s32 s1, s30  }
0xbc: {  	s0 =	sor.u32 s3, s0;
	s1 =	sshll.u32 s1, $0x11  }
0xbd: {  	s0 =	sor.u32 s1, s0  }
0xbe: {  	s0 =	sadd.s32 $0x8F2B, s0  }
0xbf: {  	[sflag:s0] =	ssyncadd.remote.s32 $0x1  }
0xc0: {  	_ =	sfence.sel $0xFFFF  }
0xc1: {  	[dreg:$0x0] =	wrdreg $0xFFFFFFFF;
	(pc) =	sbr.abs _section_cstart, $3  }
0xc2: {  	[dreg:$0x1] =	wrdreg $0xFFFFFFFF  }
0xc3: {  	_ =	task.clear_ibuf [dreg:s8], $0x2FFFF;
	_ =	strace $0x9FFFFFFF  }
0xc4: {  	(tm) =	ssettm $0x7FFFFFFF  }
0xc5: {  	_ =	shalt  }
tec
execute0_lowered:
.L_overlay_start_1:
0x0: {  	(tag) =	ssettag $0x1  }
0x1: {  	s2 =	srdreg.scid;
	s0 =	stileid.u32  }
0x2: {  	s1 =	rddreg [dreg:$0x0];
	s24 =	sand.u32 $0x1, s2;
	s31 =	sshll.u32 s0, $0x1  }
0x3: {  	s3 =	rddreg [dreg:$0x1];
	s18 =	sor.u32 s24, s31  }
0x4: {  	s17 =	rddreg [dreg:$0x2];
	s4 =	simm.s32 $0x0;
	s5 =	sshll.u32 s18, $0x4  }
0x5: {  	s6 =	simm.s32 $0x9;
	[smem:$0x7FF] =	sst s4;
	s19 =	sadd.s32 s5, s17  }
0x6: {  	s2 =	rddreg [dreg:$0x3];
	_ =	strace $0x80000047;
	s5 =	sadd.s32 $0x1C00, s19  }
0x7: {  	[tilespmem:s4], [sflag:$0x9] =	stream.linear.gather [hbm4b:s5+s4], $0x80, $0x38;
	[tilespmem:$0x5200] =	vst v63  }
0x8: {  	s7 =	sshll.u32 s18, $0x2;
	_ =	swait.ge [sflag:s6], $0x80  }
0x9: {  	s21 =	sadd.s32 s7, s17;
	[sflag:s6] =	ssyncset.done $0x0  }
0xa: {  	s8 =	simm.s32 $0x80;
	s7 =	sadd.s32 $0x1A00, s21;
	[sflag:s6] =	ssyncadd.s32 $0xFFFFFF80  }
0xb: {  	[tilespmem:s8], [sflag:$0x9] =	stream.linear.gather [hbm4b:s7+s4], $0x20, $0x38;
	[tilespmem:$0x5200] =	vst v63  }
0xc: {  	_ =	swait.ge [sflag:s6], $0x20  }
0xd: {  	[sflag:s6] =	ssyncset.done $0x0  }
0xe: {  	s9 =	simm.s32 $0x100;
	[sflag:s6] =	ssyncadd.s32 $0xFFFFFFE0  }
0xf: {  	[tilespmem:s9], [sflag:$0x1] =	stream.indirect.gather [hbm4b:s1+s8], $0x80, s4, s8, $0xb8;
	[tilespmem:$0x5200] =	vst v63  }
0x10: {  	s10 =	simm.s32 $0x20;
	s11 =	simm.s32 $0x4100  }
0x11: {  	[tilespmem:s11], [sflag:$0x2] =	stream.indirect.gather [hbm4b:s1+s10], $0x80, s8, s10, $0xb8;
	[tilespmem:$0x5200] =	vst v63  }
0x12: {  	s12 =	simm.s32 $0x5100  }
0x13: {  	[tilespmem:s12], [sflag:$0x3] =	stream.indirect.gather [hbm4b:s3+s8], $0x1, s4, s8, $0xb8;
	[tilespmem:$0x5200] =	vst v63  }
0x14: {  	s13 =	simm.s32 $0x5180;
	s14 =	simm.s32 $0x1  }
0x15: {  	[tilespmem:s13], [sflag:$0x4] =	stream.indirect.gather [hbm4b:s3+s10], $0x1, s8, s10, $0xb8;
	[tilespmem:$0x5200] =	vst v63  }
0x16: {  	s15 =	sshll.u32 s18, $0xB;
	_ =	swait.ge [sflag:s14], $0x4000  }
0x17: {  	s15 =	sadd.s32 s15, s17;
	[sflag:s14] =	ssyncset.done $0x0  }
0x18: {  	s16 =	simm.s32 $0x2;
	s15 =	sadd.s32 $0x2000, s15;
	[sflag:s14] =	ssyncadd.s32 $0xFFFFC000  }
0x19: {  	[hbm4b:s15+s4] =	stream.linear.scatter [tilespmem:s9], [sflag:$0x5], $0x4000, $0x38;
	[tilespmem:$0x5200] =	vst v63  }
0x1a: {  	s18 =	sshll.u32 s18, $0x9;
	_ =	swait.ge [sflag:s16], $0x1000  }
0x1b: {  	s17 =	sadd.s32 s18, s17;
	[sflag:s16] =	ssyncset.done $0x0  }
0x1c: {  	s18 =	simm.s32 $0x3;
	s17 =	sadd.s32 $0x12200, s17;
	[sflag:s16] =	ssyncadd.s32 $0xFFFFF000  }
0x1d: {  	[hbm4b:s17+s4] =	stream.linear.scatter [tilespmem:s11], [sflag:$0x6], $0x1000, $0x38;
	[tilespmem:$0x5200] =	vst v63  }
0x1e: {  	_ =	swait.ge [sflag:s18], $0x80  }
0x1f: {  	[sflag:s18] =	ssyncset.done $0x0  }
0x20: {  	s20 =	simm.s32 $0x4;
	s19 =	sadd.s32 $0x1E00, s19;
	[sflag:s18] =	ssyncadd.s32 $0xFFFFFF80  }
0x21: {  	[hbm4b:s19+s4] =	stream.linear.scatter [tilespmem:s12], [sflag:$0x7], $0x80, $0x38;
	[tilespmem:$0x5200] =	vst v63  }
0x22: {  	_ =	swait.ge [sflag:s20], $0x20  }
0x23: {  	[sflag:s20] =	ssyncset.done $0x0  }
0x24: {  	s22 =	simm.s32 $0x5;
	s21 =	sadd.s32 $0x12000, s21;
	[sflag:s20] =	ssyncadd.s32 $0xFFFFFFE0  }
0x25: {  	[hbm4b:s21+s4] =	stream.linear.scatter [tilespmem:s13], [sflag:$0x8], $0x20, $0x38;
	[tilespmem:$0x5200] =	vst v63  }
0x26: {  	_ =	swait.ge [sflag:s22], $0x4000  }
0x27: {  	s25 =	ssub.s32 $0x2, s24;
	[sflag:s22] =	ssyncset.done $0x0  }
0x28: {  	s23 =	simm.s32 $0x6;
	s26 =	sshrl.u32 s25, $0x1;
	[sflag:s22] =	ssyncadd.s32 $0xFFFFC000  }
0x29: {  	s25 =	ssub.s32 s25, s26;
	_ =	swait.ge [sflag:s23], $0x1000  }
0x2a: {  	s26 =	smax.u32 s25, $0x1;
	[sflag:s23] =	ssyncset.done $0x0  }
0x2b: {  	s24 =	simm.s32 $0x7;
	p0 =	sne.s32 s26, $0x1;
	[sflag:s23] =	ssyncadd.s32 $0xFFFFF000  }
.Ltmp0:
0x2c: {  	_ =	swait.ge [sflag:s24], $0x80;
	(pc) =	sbr.rel @!p0 .LBB2_2-.Ltmp0, $4  }
0x2d: {  	[sflag:s24] =	ssyncset.done $0x0  }
0x2e: {  	s25 =	simm.s32 $0x8;
	[sflag:s24] =	ssyncadd.s32 $0xFFFFFF80  }
0x2f: {  	_ =	swait.ge [sflag:s25], $0x20  }
0x30: {  	s26 =	sadd.s32 $0xFFFFFFFF, s26;
	[sflag:s25] =	ssyncset.done $0x0  }
.LBB2_1:
0x31: {  	p0 =	sne.s32 s26, $0x1;
	s26 =	sadd.s32 $0xFFFFFFFF, s26;
	[sflag:s25] =	ssyncadd.s32 $0xFFFFFFE0  }
0x32: {  	[tilespmem:s4], [sflag:$0x9] =	stream.linear.gather [hbm4b:s5+s4], $0x80, $0x38;
	[tilespmem:$0x5200] =	vst v63  }
0x33: {  	_ =	swait.ge [sflag:s6], $0x80  }
0x34: {  	[sflag:s6] =	ssyncset.done $0x0  }
0x35: {  	[sflag:s6] =	ssyncadd.s32 $0xFFFFFF80  }
0x36: {  	[tilespmem:s8], [sflag:$0x9] =	stream.linear.gather [hbm4b:s7+s4], $0x20, $0x38;
	[tilespmem:$0x5200] =	vst v63  }
0x37: {  	_ =	swait.ge [sflag:s6], $0x20  }
0x38: {  	[sflag:s6] =	ssyncset.done $0x0  }
0x39: {  	[sflag:s6] =	ssyncadd.s32 $0xFFFFFFE0  }
0x3a: {  	[tilespmem:s9], [sflag:$0x1] =	stream.indirect.gather [hbm4b:s1+s8], $0x80, s4, s8, $0xb8;
	[tilespmem:$0x5200] =	vst v63  }
0x3b: {  	_ = 	snop  }
0x3c: {  	[tilespmem:s11], [sflag:$0x2] =	stream.indirect.gather [hbm4b:s1+s10], $0x80, s8, s10, $0xb8;
	[tilespmem:$0x5200] =	vst v63  }
0x3d: {  	_ = 	snop  }
0x3e: {  	[tilespmem:s12], [sflag:$0x3] =	stream.indirect.gather [hbm4b:s3+s8], $0x1, s4, s8, $0xb8;
	[tilespmem:$0x5200] =	vst v63  }
0x3f: {  	_ = 	snop  }
0x40: {  	[tilespmem:s13], [sflag:$0x4] =	stream.indirect.gather [hbm4b:s3+s10], $0x1, s8, s10, $0xb8;
	[tilespmem:$0x5200] =	vst v63  }
0x41: {  	_ =	swait.ge [sflag:s14], $0x4000  }
0x42: {  	[sflag:s14] =	ssyncset.done $0x0  }
0x43: {  	[sflag:s14] =	ssyncadd.s32 $0xFFFFC000  }
0x44: {  	[hbm4b:s15+s4] =	stream.linear.scatter [tilespmem:s9], [sflag:$0x5], $0x4000, $0x38;
	[tilespmem:$0x5200] =	vst v63  }
0x45: {  	_ =	swait.ge [sflag:s16], $0x1000  }
0x46: {  	[sflag:s16] =	ssyncset.done $0x0  }
0x47: {  	[sflag:s16] =	ssyncadd.s32 $0xFFFFF000  }
0x48: {  	[hbm4b:s17+s4] =	stream.linear.scatter [tilespmem:s11], [sflag:$0x6], $0x1000, $0x38;
	[tilespmem:$0x5200] =	vst v63  }
0x49: {  	_ =	swait.ge [sflag:s18], $0x80  }
0x4a: {  	[sflag:s18] =	ssyncset.done $0x0  }
0x4b: {  	[sflag:s18] =	ssyncadd.s32 $0xFFFFFF80  }
0x4c: {  	[hbm4b:s19+s4] =	stream.linear.scatter [tilespmem:s12], [sflag:$0x7], $0x80, $0x38;
	[tilespmem:$0x5200] =	vst v63  }
0x4d: {  	_ =	swait.ge [sflag:s20], $0x20  }
0x4e: {  	[sflag:s20] =	ssyncset.done $0x0  }
0x4f: {  	[sflag:s20] =	ssyncadd.s32 $0xFFFFFFE0  }
0x50: {  	[hbm4b:s21+s4] =	stream.linear.scatter [tilespmem:s13], [sflag:$0x8], $0x20, $0x38;
	[tilespmem:$0x5200] =	vst v63  }
0x51: {  	_ =	swait.ge [sflag:s22], $0x4000  }
0x52: {  	[sflag:s22] =	ssyncset.done $0x0  }
0x53: {  	[sflag:s22] =	ssyncadd.s32 $0xFFFFC000  }
0x54: {  	_ =	swait.ge [sflag:s23], $0x1000  }
0x55: {  	[sflag:s23] =	ssyncset.done $0x0  }
0x56: {  	[sflag:s23] =	ssyncadd.s32 $0xFFFFF000  }
.Ltmp1:
0x57: {  	_ =	swait.ge [sflag:s24], $0x80;
	(pc) =	sbr.rel @p0 .LBB2_1-.Ltmp1, $4  }
0x58: {  	[sflag:s24] =	ssyncset.done $0x0  }
0x59: {  	[sflag:s24] =	ssyncadd.s32 $0xFFFFFF80  }
0x5a: {  	_ =	swait.ge [sflag:s25], $0x20  }
0x5b: {  	[sflag:s25] =	ssyncset.done $0x0  }
.LBB2_2:
0x5c: {  	[sflag:s25] =	ssyncadd.s32 $0xFFFFFFE0  }
0x5d: {  	_ =	sfence.sel $0x180000  }
0x5e: {  	[bflag:$0x0] =	sbarrier.arrive $0xFFFF  }
0x5f: {  	p0 =	sne.s32 s0, $0x0;
	_ =	strace $0x90000047  }
0x60: {  	s0 =	sadd.s32 @!p0 $0x100000, s2;
	[bflag:$0x2] =	sbarrier.arrive $0xFFFF  }
0x61: {  	[sflag:s0] =	ssyncadd.tile.s32 @!p0 $0x1;
	_ =	shalt  }
.Lfunc_end2:
_tile_overlayer_lowered:
.L_overlay_start_2:
0x62: {  	(tag) =	ssettag $0x2  }
0x63: {  	s0 =	rddreg [dreg:$0x0];
	s2 =	stileid.u32  }
0x64: {  	s1 =	rddreg [dreg:$0x1];
	p0 =	sne.s32 s2, $0x0  }
0x65: {  	s3 =	rddreg [dreg:$0x2];
	[bflag:$0x3] =	sbarrier.arrive $0xFFFF;
	s2 =	simm.s32 @!p0 $0x1C09  }
0x66: {  	[timem:s3], [sflag:s2] =	dma.local @!p0 [hbm:s0], s1  }
0x67: {  	s0 =	simm.s32 @!p0 $0x9  }
0x68: {  	_ =	swait.ge @!p0 [sflag:s0], s1  }
0x69: {  	s1 =	ssub.s32 @!p0 $0x0, s1;
	[sflag:s0] =	ssyncset.done @!p0 $0x0  }
0x6a: {  	[sflag:s0] =	ssyncadd.s32 @!p0 s1  }
0x6b: {  	[bflag:$0x3] =	sbarrier.arrive $0xFFFF  }
0x6c: {  	_ =	shalt  }

</sc_bundles>
